<compile_context>
chip_gen: v7x
topology: tpu7x:2x2x1
jax: 0.10.2.dev20260603
libtpu: 0.0.44.dev20260713+nightly
codegen_flags: <defaults>
</compile_context>

<pallas_src>
import dataclasses

import jax
import jax.numpy as jnp
from jax import lax
from jax.experimental import pallas as pl
from jax.experimental.pallas import tpu as pltpu
from jax.experimental.pallas import tpu_sc as plsc

_NC = 2
_NS = 16
_NW = _NC * _NS
_L = 16

_H = 32
_W = 32
_B = 256


def _router_body(e_hbm, t_hbm, out_hbm, e_v, o_v, t_v, sem, sem_out):
    h = lax.axis_index("s") * _NC + lax.axis_index("c")
    cp = pltpu.async_copy(e_hbm.at[h], e_v, sem)
    pltpu.sync_copy(t_hbm, t_v)
    tv = t_v[...]
    ones = jnp.full((_L,), 1, jnp.int32)
    zeros = jnp.zeros((_L,), jnp.int32)
    cp.wait()

    def gate_row(w):
        @pl.loop(0, _B, step=_L)
        def _(b):
            e = e_v[w, pl.ds(b, _L)]
            coarse = jnp.where(e <= tv, ones, zeros)
            o_v[w, 0, pl.ds(b, _L)] = coarse
            o_v[w, 1, pl.ds(b, _L)] = ones - coarse

    half = _W // 2
    pl.loop(0, half)(gate_row)
    cp_lo = pltpu.async_copy(
        o_v.at[pl.ds(0, half)], out_hbm.at[h, pl.ds(0, half)], sem_out
    )
    pl.loop(half, _W)(gate_row)
    cp_hi = pltpu.async_copy(
        o_v.at[pl.ds(half, half)], out_hbm.at[h, pl.ds(half, half)], sem_out
    )
    cp_lo.wait()
    cp_hi.wait()


def kernel(entropy, threshold):
    e_t = jnp.transpose(entropy, (1, 2, 0))
    tvec = jnp.full((_L,), threshold, jnp.float32)
    mesh = plsc.VectorSubcoreMesh(core_axis_name="c", subcore_axis_name="s")
    cp = pltpu.CompilerParams()
    if "needs_layout_passes" in pltpu.CompilerParams.__dataclass_fields__:
        cp = dataclasses.replace(cp, needs_layout_passes=False)
    run = pl.kernel(
        _router_body,
        out_type=jax.ShapeDtypeStruct((_H, _W, 2, _B), jnp.int32),
        mesh=mesh,
        scratch_types=[
            pltpu.VMEM((_W, _B), jnp.float32),
            pltpu.VMEM((_W, 2, _B), jnp.int32),
            pltpu.VMEM((_L,), jnp.float32),
            pltpu.SemaphoreType.DMA,
            pltpu.SemaphoreType.DMA,
        ],
        compiler_params=cp,
    )
    out = run(e_t, tvec)
    return jnp.transpose(out, (3, 0, 1, 2))

# --- scband reference (transcript-rebuilt; emitter-appended) ---
"""Pipeline reference for scband-dual-grain-entropy-router-30932354466102 (READ-ONLY COPY).

The authoritative reference and input builder live on the scoring server;
editing this copy changes nothing except your own understanding.
"""

import jax, jax.numpy as jnp
import numpy as np


def setup_inputs(seed: int = 0) -> dict:
    key = jax.random.key(seed)
    k1, k2 = jax.random.split(key)
    # entropy map per spatial position (e.g. codebook-distribution entropy in a dual-grain VQ-VAE)
    entropy = jax.random.uniform(k1, (256, 32, 32), dtype=jnp.float32) * 5.0
    # scalar entropy threshold (in the torch module this is loaded from a JSON file;
    # here we materialize it directly as a 0-d float)
    threshold = jnp.float32(2.5)
    return {"entropy": entropy, "threshold": threshold}


def reference(entropy, threshold):
    # Faithful translation of DualGrainEntropyRouter._get_gate_from_threshold
    gate_fine = (entropy > threshold).astype(jnp.int64)[..., None]
    gate_coarse = (entropy <= threshold).astype(jnp.int64)[..., None]
    gate = jnp.concatenate([gate_coarse, gate_fine], axis=-1)
    return gate

if __name__ == "__main__":
    import jax
    _d = setup_inputs()
    print(jax.jit(kernel)(*tuple(_d.values())))

</pallas_src>

<mosaic_0001>
#map = affine_map<(d0, d1) -> (0, 0, 0)>
#map1 = affine_map<(d0, d1) -> (0)>
#map2 = affine_map<(d0, d1) -> (0, 0, 0, 0)>
module attributes {stable_mosaic.version = 14 : i64} {
  func.func @_router_body(%arg0: i32, %arg1: i32, %arg2: memref<32x32x256xf32, #tpu.memory_space<hbm>>, %arg3: memref<16xf32, #tpu.memory_space<hbm>>, %arg4: memref<32x32x2x256xi32, #tpu.memory_space<hbm>>, %arg5: memref<32x256xf32, #tpu.memory_space<vmem>>, %arg6: memref<32x2x256xi32, #tpu.memory_space<vmem>>, %arg7: memref<16xf32, #tpu.memory_space<vmem>>, %arg8: memref<!tpu.dma_semaphore, #tpu.memory_space<semaphore_mem>>, %arg9: memref<!tpu.dma_semaphore, #tpu.memory_space<semaphore_mem>>) attributes {dimension_semantics = [#tpu.dimension_semantics<core_parallel>, #tpu.dimension_semantics<subcore_parallel>], iteration_bounds = array<i64: 2, 16>, scalar_prefetch = 0 : i64, scratch_operands = 5 : i64, tpu.core_type = #tpu.core_type<sc_vector_subcore>, window_params = [{transform_indices = #map}, {transform_indices = #map1}, {transform_indices = #map2}]} {
    %mul3A = arith.constant 2 : i32
    %mul3A_0 = arith.muli %arg1, %mul3A : i32
    %add3A = arith.addi %mul3A_0, %arg0 : i32
    %dma_start3A = arith.constant 0 : i32
    %dma_start3A_1 = arith.constant 0 : i32
    %dma_start3A_2 = tpu.memref_slice %arg2[%add3A, %dma_start3A, %dma_start3A_1] : memref<32x32x256xf32, #tpu.memory_space<hbm>> -> memref<1x32x256xf32, #tpu.memory_space<hbm>>
    %dma_start3A_3 = tpu.memref_squeeze %dma_start3A_2 : memref<1x32x256xf32, #tpu.memory_space<hbm>> -> memref<32x256xf32, #tpu.memory_space<hbm>>
    %dma_start3A_4 = arith.constant 0 : i32
    %dma_start3A_5 = arith.constant 0 : i32
    %dma_start3A_6 = tpu.memref_slice %arg2[%add3A, %dma_start3A_4, %dma_start3A_5] : memref<32x32x256xf32, #tpu.memory_space<hbm>> -> memref<1x32x256xf32, #tpu.memory_space<hbm>>
    %dma_start3A_7 = tpu.memref_squeeze %dma_start3A_6 : memref<1x32x256xf32, #tpu.memory_space<hbm>> -> memref<32x256xf32, #tpu.memory_space<hbm>>
    tpu.enqueue_dma source(%dma_start3A_7 : memref<32x256xf32, #tpu.memory_space<hbm>>) target(%arg5 : memref<32x256xf32, #tpu.memory_space<vmem>>) target_semaphore(%arg8 : memref<!tpu.dma_semaphore, #tpu.memory_space<semaphore_mem>>)
    "tpu.region"() ({
      %run_scoped3A = tpu.sem_alloc : memref<!tpu.dma_semaphore, #tpu.memory_space<semaphore_mem>>
      tpu.enqueue_dma source(%arg3 : memref<16xf32, #tpu.memory_space<hbm>>) target(%arg7 : memref<16xf32, #tpu.memory_space<vmem>>) target_semaphore(%run_scoped3A : memref<!tpu.dma_semaphore, #tpu.memory_space<semaphore_mem>>)
      tpu.wait_dma2 semaphore(%run_scoped3A : memref<!tpu.dma_semaphore, #tpu.memory_space<semaphore_mem>>) src(%arg3 : memref<16xf32, #tpu.memory_space<hbm>>) dst(%arg7 : memref<16xf32, #tpu.memory_space<vmem>>)
      tpu.yield
    }) : () -> ()
    %get3A = arith.constant 0 : index
    %get3A_8 = tpu.vector_load %arg7[%get3A] {strides = array<i32>} : memref<16xf32, #tpu.memory_space<vmem>>, vector<16xf32>,
    %broadcast_in_dim3A = arith.constant 1 : i32
    %broadcast_in_dim3A_9 = vector.broadcast %broadcast_in_dim3A : i32 to vector<16xi32>
    %broadcast_in_dim3A_10 = arith.constant 0 : i32
    %broadcast_in_dim3A_11 = vector.broadcast %broadcast_in_dim3A_10 : i32 to vector<16xi32>
    %dma_wait3A = arith.constant 0 : i32
    %dma_wait3A_12 = arith.constant 0 : i32
    %dma_wait3A_13 = tpu.memref_slice %arg2[%add3A, %dma_wait3A, %dma_wait3A_12] : memref<32x32x256xf32, #tpu.memory_space<hbm>> -> memref<1x32x256xf32, #tpu.memory_space<hbm>>
    %dma_wait3A_14 = tpu.memref_squeeze %dma_wait3A_13 : memref<1x32x256xf32, #tpu.memory_space<hbm>> -> memref<32x256xf32, #tpu.memory_space<hbm>>
    %dma_wait3A_15 = arith.constant 0 : i32
    %dma_wait3A_16 = arith.constant 0 : i32
    %dma_wait3A_17 = tpu.memref_slice %arg2[%add3A, %dma_wait3A_15, %dma_wait3A_16] : memref<32x32x256xf32, #tpu.memory_space<hbm>> -> memref<1x32x256xf32, #tpu.memory_space<hbm>>
    %dma_wait3A_18 = tpu.memref_squeeze %dma_wait3A_17 : memref<1x32x256xf32, #tpu.memory_space<hbm>> -> memref<32x256xf32, #tpu.memory_space<hbm>>
    tpu.wait_dma2 semaphore(%arg8 : memref<!tpu.dma_semaphore, #tpu.memory_space<semaphore_mem>>) src(%dma_wait3A_18 : memref<32x256xf32, #tpu.memory_space<hbm>>) dst(%arg5 : memref<32x256xf32, #tpu.memory_space<vmem>>)
    %scan3A = arith.constant 0 : i32
    %scan3A_19 = arith.constant 16 : i32
    %scan3A_20 = arith.addi %scan3A, %scan3A_19 : i32
    %scan3A_21 = arith.constant 1 : i32
    scf.for %scan3A_100 = %scan3A to %scan3A_20 step %scan3A_21  : i32 {
      %mul3A_101 = arith.constant 1 : i32
      %mul3A_102 = arith.muli %scan3A_100, %mul3A_101 : i32
      %add3A_103 = arith.constant 0 : i32
      %add3A_104 = arith.addi %add3A_103, %mul3A_102 : i32
      %scan3A_105 = arith.constant 0 : i32
      %scan3A_106 = arith.constant 16 : i32
      %scan3A_107 = arith.addi %scan3A_105, %scan3A_106 : i32
      %scan3A_108 = arith.constant 1 : i32
      scf.for %scan3A_110 = %scan3A_105 to %scan3A_107 step %scan3A_108  : i32 {
        %mul3A_111 = arith.constant 16 : i32
        %mul3A_112 = arith.muli %scan3A_110, %mul3A_111 : i32
        %add3A_113 = arith.constant 0 : i32
        %add3A_114 = arith.addi %add3A_113, %mul3A_112 : i32
        %get3A_115 = arith.index_cast %add3A_104 : i32 to index
        %get3A_116 = arith.index_cast %add3A_114 : i32 to index
        %get3A_117 = tpu.vector_load %arg5[%get3A_115, %get3A_116] {strides = array<i32>} : memref<32x256xf32, #tpu.memory_space<vmem>>, vector<16xf32>,
        %le3A = arith.cmpf ole, %get3A_117, %get3A_8 : vector<16xf32>
        %select_n3A = arith.select %le3A, %broadcast_in_dim3A_9, %broadcast_in_dim3A_11 : vector<16xi1>, vector<16xi32>
        %swap3A = arith.constant 0 : i32
        %swap3A_118 = arith.index_cast %add3A_104 : i32 to index
        %swap3A_119 = arith.index_cast %swap3A : i32 to index
        %swap3A_120 = arith.index_cast %add3A_114 : i32 to index
        %swap3A_121 = tpu.vector_load %arg6[%swap3A_118, %swap3A_119, %swap3A_120] {strides = array<i32>} : memref<32x2x256xi32, #tpu.memory_space<vmem>>, vector<16xi32>,
        tpu.vector_store %arg6[%swap3A_118, %swap3A_119, %swap3A_120], %select_n3A {strides = array<i32>} : memref<32x2x256xi32, #tpu.memory_space<vmem>>, vector<16xi32>,
        %sub3A = arith.subi %broadcast_in_dim3A_9, %select_n3A : vector<16xi32>
        %swap3A_122 = arith.constant 1 : i32
        %swap3A_123 = arith.index_cast %add3A_104 : i32 to index
        %swap3A_124 = arith.index_cast %swap3A_122 : i32 to index
        %swap3A_125 = arith.index_cast %add3A_114 : i32 to index
        %swap3A_126 = tpu.vector_load %arg6[%swap3A_123, %swap3A_124, %swap3A_125] {strides = array<i32>} : memref<32x2x256xi32, #tpu.memory_space<vmem>>, vector<16xi32>,
        tpu.vector_store %arg6[%swap3A_123, %swap3A_124, %swap3A_125], %sub3A {strides = array<i32>} : memref<32x2x256xi32, #tpu.memory_space<vmem>>, vector<16xi32>,
      }
      %scan3A_109 = arith.constant 16 : i32
    }
    %scan3A_22 = arith.constant 16 : i32
    %dma_start3A_23 = arith.constant 0 : i32
    %dma_start3A_24 = arith.constant 0 : i32
    %dma_start3A_25 = arith.constant 0 : i32
    %dma_start3A_26 = tpu.memref_slice %arg6[%dma_start3A_23, %dma_start3A_24, %dma_start3A_25] : memref<32x2x256xi32, #tpu.memory_space<vmem>> -> memref<16x2x256xi32, #tpu.memory_space<vmem>>
    %dma_start3A_27 = arith.constant 0 : i32
    %dma_start3A_28 = arith.constant 0 : i32
    %dma_start3A_29 = arith.constant 0 : i32
    %dma_start3A_30 = tpu.memref_slice %arg4[%add3A, %dma_start3A_27, %dma_start3A_28, %dma_start3A_29] : memref<32x32x2x256xi32, #tpu.memory_space<hbm>> -> memref<1x16x2x256xi32, #tpu.memory_space<hbm>>
    %dma_start3A_31 = tpu.memref_squeeze %dma_start3A_30 : memref<1x16x2x256xi32, #tpu.memory_space<hbm>> -> memref<16x2x256xi32, #tpu.memory_space<hbm>>
    %dma_start3A_32 = arith.constant 0 : i32
    %dma_start3A_33 = arith.constant 0 : i32
    %dma_start3A_34 = arith.constant 0 : i32
    %dma_start3A_35 = tpu.memref_slice %arg4[%add3A, %dma_start3A_32, %dma_start3A_33, %dma_start3A_34] : memref<32x32x2x256xi32, #tpu.memory_space<hbm>> -> memref<1x16x2x256xi32, #tpu.memory_space<hbm>>
    %dma_start3A_36 = tpu.memref_squeeze %dma_start3A_35 : memref<1x16x2x256xi32, #tpu.memory_space<hbm>> -> memref<16x2x256xi32, #tpu.memory_space<hbm>>
    %dma_start3A_37 = arith.constant 0 : i32
    %dma_start3A_38 = arith.constant 0 : i32
    %dma_start3A_39 = arith.constant 0 : i32
    %dma_start3A_40 = tpu.memref_slice %arg6[%dma_start3A_37, %dma_start3A_38, %dma_start3A_39] : memref<32x2x256xi32, #tpu.memory_space<vmem>> -> memref<16x2x256xi32, #tpu.memory_space<vmem>>
    tpu.enqueue_dma source(%dma_start3A_40 : memref<16x2x256xi32, #tpu.memory_space<vmem>>) target(%dma_start3A_36 : memref<16x2x256xi32, #tpu.memory_space<hbm>>) target_semaphore(%arg9 : memref<!tpu.dma_semaphore, #tpu.memory_space<semaphore_mem>>)
    %scan3A_41 = arith.constant 0 : i32
    %scan3A_42 = arith.constant 16 : i32
    %scan3A_43 = arith.addi %scan3A_41, %scan3A_42 : i32
    %scan3A_44 = arith.constant 1 : i32
    scf.for %scan3A_100 = %scan3A_41 to %scan3A_43 step %scan3A_44  : i32 {
      %mul3A_101 = arith.constant 1 : i32
      %mul3A_102 = arith.muli %scan3A_100, %mul3A_101 : i32
      %add3A_103 = arith.constant 16 : i32
      %add3A_104 = arith.addi %add3A_103, %mul3A_102 : i32
      %scan3A_105 = arith.constant 0 : i32
      %scan3A_106 = arith.constant 16 : i32
      %scan3A_107 = arith.addi %scan3A_105, %scan3A_106 : i32
      %scan3A_108 = arith.constant 1 : i32
      scf.for %scan3A_110 = %scan3A_105 to %scan3A_107 step %scan3A_108  : i32 {
        %mul3A_111 = arith.constant 16 : i32
        %mul3A_112 = arith.muli %scan3A_110, %mul3A_111 : i32
        %add3A_113 = arith.constant 0 : i32
        %add3A_114 = arith.addi %add3A_113, %mul3A_112 : i32
        %get3A_115 = arith.index_cast %add3A_104 : i32 to index
        %get3A_116 = arith.index_cast %add3A_114 : i32 to index
        %get3A_117 = tpu.vector_load %arg5[%get3A_115, %get3A_116] {strides = array<i32>} : memref<32x256xf32, #tpu.memory_space<vmem>>, vector<16xf32>,
        %le3A = arith.cmpf ole, %get3A_117, %get3A_8 : vector<16xf32>
        %select_n3A = arith.select %le3A, %broadcast_in_dim3A_9, %broadcast_in_dim3A_11 : vector<16xi1>, vector<16xi32>
        %swap3A = arith.constant 0 : i32
        %swap3A_118 = arith.index_cast %add3A_104 : i32 to index
        %swap3A_119 = arith.index_cast %swap3A : i32 to index
        %swap3A_120 = arith.index_cast %add3A_114 : i32 to index
        %swap3A_121 = tpu.vector_load %arg6[%swap3A_118, %swap3A_119, %swap3A_120] {strides = array<i32>} : memref<32x2x256xi32, #tpu.memory_space<vmem>>, vector<16xi32>,
        tpu.vector_store %arg6[%swap3A_118, %swap3A_119, %swap3A_120], %select_n3A {strides = array<i32>} : memref<32x2x256xi32, #tpu.memory_space<vmem>>, vector<16xi32>,
        %sub3A = arith.subi %broadcast_in_dim3A_9, %select_n3A : vector<16xi32>
        %swap3A_122 = arith.constant 1 : i32
        %swap3A_123 = arith.index_cast %add3A_104 : i32 to index
        %swap3A_124 = arith.index_cast %swap3A_122 : i32 to index
        %swap3A_125 = arith.index_cast %add3A_114 : i32 to index
        %swap3A_126 = tpu.vector_load %arg6[%swap3A_123, %swap3A_124, %swap3A_125] {strides = array<i32>} : memref<32x2x256xi32, #tpu.memory_space<vmem>>, vector<16xi32>,
        tpu.vector_store %arg6[%swap3A_123, %swap3A_124, %swap3A_125], %sub3A {strides = array<i32>} : memref<32x2x256xi32, #tpu.memory_space<vmem>>, vector<16xi32>,
      }
      %scan3A_109 = arith.constant 16 : i32
    }
    %scan3A_45 = arith.constant 16 : i32
    %dma_start3A_46 = arith.constant 16 : i32
    %dma_start3A_47 = arith.constant 0 : i32
    %dma_start3A_48 = arith.constant 0 : i32
    %dma_start3A_49 = tpu.memref_slice %arg6[%dma_start3A_46, %dma_start3A_47, %dma_start3A_48] : memref<32x2x256xi32, #tpu.memory_space<vmem>> -> memref<16x2x256xi32, #tpu.memory_space<vmem>>
    %dma_start3A_50 = arith.constant 16 : i32
    %dma_start3A_51 = arith.constant 0 : i32
    %dma_start3A_52 = arith.constant 0 : i32
    %dma_start3A_53 = tpu.memref_slice %arg4[%add3A, %dma_start3A_50, %dma_start3A_51, %dma_start3A_52] : memref<32x32x2x256xi32, #tpu.memory_space<hbm>> -> memref<1x16x2x256xi32, #tpu.memory_space<hbm>>
    %dma_start3A_54 = tpu.memref_squeeze %dma_start3A_53 : memref<1x16x2x256xi32, #tpu.memory_space<hbm>> -> memref<16x2x256xi32, #tpu.memory_space<hbm>>
    %dma_start3A_55 = arith.constant 16 : i32
    %dma_start3A_56 = arith.constant 0 : i32
    %dma_start3A_57 = arith.constant 0 : i32
    %dma_start3A_58 = tpu.memref_slice %arg4[%add3A, %dma_start3A_55, %dma_start3A_56, %dma_start3A_57] : memref<32x32x2x256xi32, #tpu.memory_space<hbm>> -> memref<1x16x2x256xi32, #tpu.memory_space<hbm>>
    %dma_start3A_59 = tpu.memref_squeeze %dma_start3A_58 : memref<1x16x2x256xi32, #tpu.memory_space<hbm>> -> memref<16x2x256xi32, #tpu.memory_space<hbm>>
    %dma_start3A_60 = arith.constant 16 : i32
    %dma_start3A_61 = arith.constant 0 : i32
    %dma_start3A_62 = arith.constant 0 : i32
    %dma_start3A_63 = tpu.memref_slice %arg6[%dma_start3A_60, %dma_start3A_61, %dma_start3A_62] : memref<32x2x256xi32, #tpu.memory_space<vmem>> -> memref<16x2x256xi32, #tpu.memory_space<vmem>>
    tpu.enqueue_dma source(%dma_start3A_63 : memref<16x2x256xi32, #tpu.memory_space<vmem>>) target(%dma_start3A_59 : memref<16x2x256xi32, #tpu.memory_space<hbm>>) target_semaphore(%arg9 : memref<!tpu.dma_semaphore, #tpu.memory_space<semaphore_mem>>)
    %dma_wait3A_64 = arith.constant 0 : i32
    %dma_wait3A_65 = arith.constant 0 : i32
    %dma_wait3A_66 = arith.constant 0 : i32
    %dma_wait3A_67 = tpu.memref_slice %arg6[%dma_wait3A_64, %dma_wait3A_65, %dma_wait3A_66] : memref<32x2x256xi32, #tpu.memory_space<vmem>> -> memref<16x2x256xi32, #tpu.memory_space<vmem>>
    %dma_wait3A_68 = arith.constant 0 : i32
    %dma_wait3A_69 = arith.constant 0 : i32
    %dma_wait3A_70 = arith.constant 0 : i32
    %dma_wait3A_71 = tpu.memref_slice %arg4[%add3A, %dma_wait3A_68, %dma_wait3A_69, %dma_wait3A_70] : memref<32x32x2x256xi32, #tpu.memory_space<hbm>> -> memref<1x16x2x256xi32, #tpu.memory_space<hbm>>
    %dma_wait3A_72 = tpu.memref_squeeze %dma_wait3A_71 : memref<1x16x2x256xi32, #tpu.memory_space<hbm>> -> memref<16x2x256xi32, #tpu.memory_space<hbm>>
    %dma_wait3A_73 = arith.constant 0 : i32
    %dma_wait3A_74 = arith.constant 0 : i32
    %dma_wait3A_75 = arith.constant 0 : i32
    %dma_wait3A_76 = tpu.memref_slice %arg4[%add3A, %dma_wait3A_73, %dma_wait3A_74, %dma_wait3A_75] : memref<32x32x2x256xi32, #tpu.memory_space<hbm>> -> memref<1x16x2x256xi32, #tpu.memory_space<hbm>>
    %dma_wait3A_77 = tpu.memref_squeeze %dma_wait3A_76 : memref<1x16x2x256xi32, #tpu.memory_space<hbm>> -> memref<16x2x256xi32, #tpu.memory_space<hbm>>
    %dma_wait3A_78 = arith.constant 0 : i32
    %dma_wait3A_79 = arith.constant 0 : i32
    %dma_wait3A_80 = arith.constant 0 : i32
    %dma_wait3A_81 = tpu.memref_slice %arg6[%dma_wait3A_78, %dma_wait3A_79, %dma_wait3A_80] : memref<32x2x256xi32, #tpu.memory_space<vmem>> -> memref<16x2x256xi32, #tpu.memory_space<vmem>>
    tpu.wait_dma2 semaphore(%arg9 : memref<!tpu.dma_semaphore, #tpu.memory_space<semaphore_mem>>) src(%dma_wait3A_81 : memref<16x2x256xi32, #tpu.memory_space<vmem>>) dst(%dma_wait3A_77 : memref<16x2x256xi32, #tpu.memory_space<hbm>>)
    %dma_wait3A_82 = arith.constant 16 : i32
    %dma_wait3A_83 = arith.constant 0 : i32
    %dma_wait3A_84 = arith.constant 0 : i32
    %dma_wait3A_85 = tpu.memref_slice %arg6[%dma_wait3A_82, %dma_wait3A_83, %dma_wait3A_84] : memref<32x2x256xi32, #tpu.memory_space<vmem>> -> memref<16x2x256xi32, #tpu.memory_space<vmem>>
    %dma_wait3A_86 = arith.constant 16 : i32
    %dma_wait3A_87 = arith.constant 0 : i32
    %dma_wait3A_88 = arith.constant 0 : i32
    %dma_wait3A_89 = tpu.memref_slice %arg4[%add3A, %dma_wait3A_86, %dma_wait3A_87, %dma_wait3A_88] : memref<32x32x2x256xi32, #tpu.memory_space<hbm>> -> memref<1x16x2x256xi32, #tpu.memory_space<hbm>>
    %dma_wait3A_90 = tpu.memref_squeeze %dma_wait3A_89 : memref<1x16x2x256xi32, #tpu.memory_space<hbm>> -> memref<16x2x256xi32, #tpu.memory_space<hbm>>
    %dma_wait3A_91 = arith.constant 16 : i32
    %dma_wait3A_92 = arith.constant 0 : i32
    %dma_wait3A_93 = arith.constant 0 : i32
    %dma_wait3A_94 = tpu.memref_slice %arg4[%add3A, %dma_wait3A_91, %dma_wait3A_92, %dma_wait3A_93] : memref<32x32x2x256xi32, #tpu.memory_space<hbm>> -> memref<1x16x2x256xi32, #tpu.memory_space<hbm>>
    %dma_wait3A_95 = tpu.memref_squeeze %dma_wait3A_94 : memref<1x16x2x256xi32, #tpu.memory_space<hbm>> -> memref<16x2x256xi32, #tpu.memory_space<hbm>>
    %dma_wait3A_96 = arith.constant 16 : i32
    %dma_wait3A_97 = arith.constant 0 : i32
    %dma_wait3A_98 = arith.constant 0 : i32
    %dma_wait3A_99 = tpu.memref_slice %arg6[%dma_wait3A_96, %dma_wait3A_97, %dma_wait3A_98] : memref<32x2x256xi32, #tpu.memory_space<vmem>> -> memref<16x2x256xi32, #tpu.memory_space<vmem>>
    tpu.wait_dma2 semaphore(%arg9 : memref<!tpu.dma_semaphore, #tpu.memory_space<semaphore_mem>>) src(%dma_wait3A_99 : memref<16x2x256xi32, #tpu.memory_space<vmem>>) dst(%dma_wait3A_95 : memref<16x2x256xi32, #tpu.memory_space<hbm>>)
    return
  }
}

</mosaic_0001>

<sc_bundles>
// kernel: kernel.3.cloned.1.call-start
scs
__scs_entry_jumppad:
0x0: {  	(pc) =	sbr.rel $0x88, $3  }
0x1: {  	(tag) =	ssettag $0x0;
	lr =	simm.s32 $0x1  }
0x2: {  	[smem:$0x3F9F] =	sst lr;
	_ =	strace $0xD0000000  }
0x3: {  	_ = 	snop  }
0x4: {  	_ = 	snop  }
0x5: {  	_ = 	snop  }
0x6: {  	_ = 	snop  }
0x7: {  	_ = 	snop  }
__scs_overlays_trampoline_lowered:
0x8: {  	[smem:$0x3FAE] =	sst s0  }
0x9: {  	[smem:$0x3FAF] =	sst s1  }
0xa: {  	[smem:$0x3FB0] =	sst s2  }
0xb: {  	[smem:$0x3FB1] =	sst s3  }
0xc: {  	[smem:$0x3FB2] =	sst s4  }
0xd: {  	[smem:$0x3FB3] =	sst s5  }
0xe: {  	[smem:$0x3FB4] =	sst s6  }
0xf: {  	[smem:$0x3FB5] =	sst s7  }
0x10: {  	[smem:$0x3FB6] =	sst s8  }
0x11: {  	[smem:$0x3FB7] =	sst s9;
	s0 =	simm.s32 @!p0 $0x0  }
0x12: {  	s1 =	sld [smem:$0x3F9D];
	s0 =	simm.s32 @p0 $0x1  }
0x13: {  	[smem:$0x3FB8] =	sst s0;
	s0 =	simm.s32 @!p1 $0x0  }
0x14: {  	s2 =	sld [smem:$0x3F9C];
	s0 =	simm.s32 @p1 $0x1  }
0x15: {  	[smem:$0x3FB9] =	sst s0;
	s0 =	simm.s32 @!p2 $0x0  }
0x16: {  	s3 =	sld [smem:$0x3FDB];
	s0 =	simm.s32 @p2 $0x1  }
0x17: {  	s4 =	simm.s32 $0x1BF5;
	[smem:$0x3FBB] =	sst s0  }
0x18: {  	s0 =	sld [smem:$0x3F9E];
	_ =	swait.ge [sflag:s4], $0x0  }
0x19: {  	s7 =	sld [smem:$0x3F9F]  }
0x1a: {  	s8 =	sadd.s32 $0xFFFFE003, lr  }
0x1b: {  	s9 =	sadd.s32 $0xFFFFFEF7, lr;
	s5 =	simm.s32 $0xFFFFFFFF;
	p2 =	slt.u32 s8, $0xFFFFF086  }
0x1c: {  	p1 =	slt.u32 s9, $0xF7A;
	s5 =	simm.s32 @!p2 $0x0  }
0x1d: {  	s5 =	simm.s32 @p1 $0x1;
	p0 =	seq.s32 s7, s2  }
0x1e: {  	s7 =	smul.u32 @!p0 $0xF7A, s2;
	p2 =	seq.s32 @!p0 s5, $0x0  }
0x1f: {  	s9 =	smul.u32 $0xF7A, s1;
	s8 =	simm.s32 @!p0 $0x1BF5;
	p2 =	por !p2, p0  }
0x20: {  	[sflag:s8] =	ssyncset.s32 @!p0 $0xFFFFF086;
	s6 =	sadd.s32 @!p0 s3, s7;
	s7 =	simm.s32 @!p0 $0x108  }
0x21: {  	s3 =	sadd.s32 s3, s9;
	s6 =	sadd.s32 @!p0 $0x88, s6;
	s7 =	simm.s32 @p2 $0x1082  }
0x22: {  	[simem:s7], [sflag:s8] =	dma.local @!p0 [hbm:s6], $0xF7A  }
0x23: {  	s9 =	sor.u32 $0xD0000000, s2;
	s6 =	simm.s32 $0x108;
	_ =	swait.ge @!p0 [sflag:s8], $0x0  }
0x24: {  	s3 =	sadd.s32 $0x88, s3;
	s6 =	simm.s32 @!p1 $0x1082;
	[sflag:s4] =	ssyncset.s32 $0xFFFFF086  }
0x25: {  	[simem:s6], [sflag:s4] =	dma.local [hbm:s3], $0xF7A  }
0x26: {  	[smem:$0x3F9F] =	sst s1;
	(tag) =	ssettag s2;
	_ =	strace s9  }
0x27: {  	s1 =	sld [smem:$0x3FAF]  }
0x28: {  	s2 =	sld [smem:$0x3FB0]  }
0x29: {  	s4 =	sld [smem:$0x3FB2]  }
0x2a: {  	p0 =	seq.s32 s5, $0x0;
	s5 =	sld [smem:$0x3FB3]  }
0x2b: {  	s6 =	sld [smem:$0x3FB4]  }
0x2c: {  	s7 =	sld [smem:$0x3FB5]  }
0x2d: {  	s3 =	simm.s32 $0x108;
	s8 =	sld [smem:$0x3FB6]  }
0x2e: {  	s3 =	simm.s32 @!p0 $0x1082;
	s9 =	sld [smem:$0x3FB7]  }
0x2f: {  	lr =	sadd.s32 s0, s3;
	s0 =	sld [smem:$0x3FAE]  }
0x30: {  	s3 =	sld [smem:$0x3FB1]  }
0x31: {  	[smem:$0x3FBA] =	sst s10  }
0x32: {  	s10 =	sld [smem:$0x3FB8];
	_ =	sdelay $0x3  }
0x33: {  	p0 =	seq.s32 s10, $0x1;
	s10 =	sld [smem:$0x3FBA];
	_ =	sdelay $0x3  }
0x34: {  	[smem:$0x3FBA] =	sst s10  }
0x35: {  	s10 =	sld [smem:$0x3FB9];
	_ =	sdelay $0x3  }
0x36: {  	p1 =	seq.s32 s10, $0x1;
	s10 =	sld [smem:$0x3FBA];
	_ =	sdelay $0x3  }
0x37: {  	[smem:$0x3FBA] =	sst s10  }
0x38: {  	s10 =	sld [smem:$0x3FBB]  }
0x39: {  	_ = 	snop;
	(pc) =	sbr.ind lr, $3  }
0x3a: {  	_ = 	snop  }
0x3b: {  	_ = 	snop  }
0x3c: {  	p2 =	seq.s32 s10, $0x1;
	s10 =	sld [smem:$0x3FBA]  }
0x3d: {  	_ =	shalt  }
0x3e: {  	_ =	shalt  }
0x3f: {  	_ =	shalt  }
0x40: {  	_ =	shalt  }
0x41: {  	_ =	shalt  }
0x42: {  	_ =	shalt  }
0x43: {  	_ =	shalt  }
0x44: {  	_ =	shalt  }
0x45: {  	_ =	shalt  }
0x46: {  	_ =	shalt  }
0x47: {  	_ =	shalt  }
0x48: {  	_ =	shalt  }
0x49: {  	_ =	shalt  }
0x4a: {  	_ =	shalt  }
0x4b: {  	_ =	shalt  }
0x4c: {  	_ =	shalt  }
0x4d: {  	_ =	shalt  }
0x4e: {  	_ =	shalt  }
0x4f: {  	_ =	shalt  }
0x50: {  	_ =	shalt  }
0x51: {  	_ =	shalt  }
0x52: {  	_ =	shalt  }
0x53: {  	_ =	shalt  }
0x54: {  	_ =	shalt  }
0x55: {  	_ =	shalt  }
0x56: {  	_ =	shalt  }
0x57: {  	_ =	shalt  }
0x58: {  	_ =	shalt  }
0x59: {  	_ =	shalt  }
0x5a: {  	_ =	shalt  }
0x5b: {  	_ =	shalt  }
0x5c: {  	_ =	shalt  }
0x5d: {  	_ =	shalt  }
0x5e: {  	_ =	shalt  }
0x5f: {  	_ =	shalt  }
0x60: {  	_ =	shalt  }
0x61: {  	_ =	shalt  }
0x62: {  	_ =	shalt  }
0x63: {  	_ =	shalt  }
0x64: {  	_ =	shalt  }
0x65: {  	_ =	shalt  }
0x66: {  	_ =	shalt  }
0x67: {  	_ =	shalt  }
0x68: {  	_ =	shalt  }
0x69: {  	_ =	shalt  }
0x6a: {  	_ =	shalt  }
0x6b: {  	_ =	shalt  }
0x6c: {  	_ =	shalt  }
0x6d: {  	_ =	shalt  }
0x6e: {  	_ =	shalt  }
0x6f: {  	_ =	shalt  }
0x70: {  	_ =	shalt  }
0x71: {  	_ =	shalt  }
0x72: {  	_ =	shalt  }
0x73: {  	_ =	shalt  }
0x74: {  	_ =	shalt  }
0x75: {  	_ =	shalt  }
0x76: {  	_ =	shalt  }
0x77: {  	_ =	shalt  }
0x78: {  	_ =	shalt  }
0x79: {  	_ =	shalt  }
0x7a: {  	_ =	shalt  }
0x7b: {  	_ =	shalt  }
0x7c: {  	_ =	shalt  }
0x7d: {  	_ =	shalt  }
0x7e: {  	_ =	shalt  }
0x7f: {  	_ =	shalt  }
0x80: {  	_ =	shalt  }
0x81: {  	_ =	shalt  }
0x82: {  	_ =	shalt  }
0x83: {  	_ =	shalt  }
0x84: {  	_ =	shalt  }
0x85: {  	_ =	shalt  }
0x86: {  	_ =	shalt  }
0x87: {  	_ =	shalt  }
.Lfunc_end0:
.L_simem_size_0:
called_computation_lowered:
.L_overlay_start_0:
0x88: {  	s2 =	sld [smem:$0x3FD9]  }
0x89: {  	s3 =	sld [smem:$0x3FFE];
	_ =	sdelay $0x1  }
0x8a: {  	s1 =	srdreg.scid  }
0x8b: {  	s0 =	sand.u32 $0x1, s1  }
0x8c: {  	s17 =	sshll.u32 s0, $0xA;
	s2 =	sadd.s32 s3, s2  }
0x8d: {  	s2 =	sadd.s32 s2, s17  }
0x8e: {  	[smem:$0x3FC6] =	sst s2  }
0x8f: {  	_ = 	snop  }
0x90: {  	s2 =	sld [smem:$0x3FC9]  }
0x91: {  	s18 =	sld [smem:$0x3FD0];
	(tm) =	ssettm $0x1  }
0x92: {  	s4 =	sld [smem:$0x3FFB];
	_ =	sdelay $0x3  }
0x93: {  	_ =	strace s4  }
0x94: {  	s4 =	sld [smem:$0x3FFC];
	_ =	sdelay $0x3  }
0x95: {  	_ =	strace s4  }
0x96: {  	s4 =	sld [smem:$0x3FFD];
	_ =	sdelay $0x3  }
0x97: {  	_ =	strace s4  }
0x98: {  	_ =	strace $0x8FFFFFFF  }
0x99: {  	s19 =	sld [smem:$0x3FDB];
	_ =	sdelay $0x1  }
0x9a: {  	s5 =	simm.s32 $_scs_section_size  }
0x9b: {  	s6 =	simm.s32 $_size__tile_overlayer_lowered;
	s7 =	simm.s32 $_tile_overlayer_lowered  }
0x9c: {  	s22 =	simm.s32 $0x1BFF;
	s21 =	sshll.u32 s7, $0x1;
	s4 =	sadd.s32 s5, s19  }
0x9d: {  	s8 =	simm.s32 $0x0;
	s20 =	sshll.u32 s6, $0x1;
	s6 =	sadd.s32 s21, s4  }
0x9e: {  	[timem:s8], [sflag:s22] =	dma.local [hbm:s6], s20  }
0x9f: {  	_ =	swait.ge [sflag:s22], s20  }
0xa0: {  	s5 =	ssub.s32 $0x0, s20;
	[sflag:s22] =	ssyncset.done $0x0  }
0xa1: {  	[sflag:s22] =	ssyncadd.s32 s5;
	_ =	sdelay $0x1  }
0xa2: {  	s23 =	simm.s32 $0x1B8B  }
0xa3: {  	_ =	swait.ge [sflag:s23], $0x1  }
0xa4: {  	[sflag:s23] =	ssyncset.done $0x0  }
0xa5: {  	s25 =	simm.s32 $0x1B8E;
	s24 =	sld [smem:$0x3FFE];
	[sflag:s23] =	ssyncadd.s32 $0xFFFFFFFF  }
0xa6: {  	s26 =	simm.s32 $execute0_lowered;
	[smem:$0x3FD2] =	sst s25  }
0xa7: {  	s6 =	sshll.u32 s26, $0x1;
	_ =	strace $0x80000046;
	[dreg:$0x1] =	wrdreg $0xFFFFFFFF  }
0xa8: {  	s28 =	simm.s32 $_size_execute0_lowered;
	s4 =	sadd.s32 s4, s6;
	[dreg:$0x0] =	wrdreg $0x0  }
0xa9: {  	s6 =	sshll.u32 s28, $0x1;
	[dreg:$0x2] =	wrdreg s4  }
0xaa: {  	[dreg:$0x3] =	wrdreg s6  }
0xab: {  	[dreg:$0x4] =	wrdreg $0xC0  }
0xac: {  	_ =	task [dreg:s8], $0x5FFFF  }
0xad: {  	[dreg:$0x1] =	wrdreg $0xFFFFFFFF  }
0xae: {  	[dreg:$0x0] =	wrdreg $0x60  }
0xaf: {  	[dreg:$0x2] =	wrdreg s2  }
0xb0: {  	[dreg:$0x3] =	wrdreg s24  }
0xb1: {  	[dreg:$0x4] =	wrdreg s18  }
0xb2: {  	[dreg:$0x5] =	wrdreg $0x9  }
0xb3: {  	_ =	task.clear_ibuf [dreg:s8], $0x6FFFF;
	_ =	strace $0x90000046  }
0xb4: {  	s29 =	simm.s32 $0x9;
	_ =	strace $0x80000048  }
0xb5: {  	_ =	swait.ge [sflag:s29], $0x1  }
0xb6: {  	[sflag:s29] =	ssyncadd.s32 $0xFFFFFFFF  }
0xb7: {  	_ =	strace $0x90000048  }
0xb8: {  	_ =	sfence  }
0xb9: {  	s30 =	sld [smem:$0x0];
	_ =	sdelay $0x2  }
0xba: {  	s31 =	sshll.u32 s1, $0xD;
	s1 =	sshrl.u32 s1, $0x2  }
0xbb: {  	s3 =	sand.u32 $0x4000, s31;
	s1 =	sadd.s32 s1, s30  }
0xbc: {  	s0 =	sor.u32 s3, s0;
	s1 =	sshll.u32 s1, $0x11  }
0xbd: {  	s0 =	sor.u32 s1, s0  }
0xbe: {  	s0 =	sadd.s32 $0x8F2B, s0  }
0xbf: {  	[sflag:s0] =	ssyncadd.remote.s32 $0x1  }
0xc0: {  	_ =	sfence.sel $0xFFFF  }
0xc1: {  	[dreg:$0x0] =	wrdreg $0xFFFFFFFF;
	(pc) =	sbr.abs _section_cstart, $3  }
0xc2: {  	[dreg:$0x1] =	wrdreg $0xFFFFFFFF  }
0xc3: {  	_ =	task.clear_ibuf [dreg:s8], $0x2FFFF;
	_ =	strace $0x9FFFFFFF  }
0xc4: {  	(tm) =	ssettm $0x7FFFFFFF  }
0xc5: {  	_ =	shalt  }
tec
execute0_lowered:
.L_overlay_start_1:
0x0: {  	(tag) =	ssettag $0x1  }
0x1: {  	s4 =	rddreg [dreg:$0x0]  }
0x2: {  	s3 =	rddreg [dreg:$0x1]  }
0x3: {  	s5 =	rddreg [dreg:$0x2]  }
0x4: {  	s0 =	rddreg [dreg:$0x3];
	s2 =	simm.s32 $0x0  }
0x5: {  	s6 =	srdreg.scid;
	s1 =	stileid.u32;
	s10 =	simm.s32 $0x1  }
0x6: {  	s11 =	simm.s32 $0x2000;
	s12 =	simm.s32 $0x4000;
	s13 =	simm.s32 $0x2  }
0x7: {  	s14 =	simm.s32 $0x0;
	[smem:$0x7FF] =	sst s2;
	s6 =	sand.u32 $0x1, s6  }
0x8: {  	s7 =	sshll.u32 s1, $0x1;
	s3 =	sadd.s32 $0x400, s3;
	s8 =	ssub.s32 $0x2, s6  }
0x9: {  	_ =	strace $0x80000047;
	s6 =	sor.u32 s6, s7;
	s31 =	sshrl.u32 s8, $0x1  }
0xa: {  	s9 =	sshll.u32 s6, $0xA;
	s6 =	sshll.u32 s6, $0xB;
	s7 =	ssub.s32 s8, s31  }
0xb: {  	s4 =	sadd.s32 s4, s9;
	s5 =	sadd.s32 s5, s6;
	s8 =	simm.s32 $0x6000  }
0xc: {  	v0 =	vimm.s32 $0x0;
	s9 =	simm.s32 $0x3;
	s6 =	sadd.s32 $0x400, s5;
	s7 =	smax.u32 s7, $0x1  }
.LBB2_1:
0xd: {  	[tilespmem:s2], [sflag:$0x1] =	stream.linear.gather [hbm4b:s4+s2], $0x2000, $0x38;
	[tilespmem:$0x6080] =	vst v63  }
0xe: {  	_ = 	snop  }
0xf: {  	[tilespmem:s8], [sflag:$0x3] =	stream.linear.gather [hbm4b:s3+s2], $0x80, $0x38;
	[tilespmem:$0x6080] =	vst v63  }
0x10: {  	_ =	swait.ge [sflag:s9], $0x80  }
0x11: {  	[sflag:s9] =	ssyncset.done $0x0  }
0x12: {  	[sflag:s9] =	ssyncadd.s32 $0xFFFFFF80  }
0x13: {  	v1 =	vld [tilespmem:$0x6000];
	_ =	swait.ge [sflag:s10], $0x2000  }
0x14: {  	[sflag:s10] =	ssyncset.done $0x0  }
0x15: {  	s15 =	simm.s32 $0x0;
	[sflag:s10] =	ssyncadd.s32 $0xFFFFE000  }
.LBB2_2:
0x16: {  	s16 =	sshll.u32 s15, $0x8;
	s17 =	sshll.u32 s15, $0x7  }
0x17: {  	s18 =	simm.s32 $0x0;
	s16 =	sand.u32 $0x800, s16;
	s17 =	sand.u32 $0x380, s17  }
0x18: {  	s29 =	simm.s32 $0x0;
	s18 =	sand.u32 $0x3FFFFC00, s18;
	s16 =	sor.u32 s17, s16  }
0x19: {  	s19 =	sand.u32 $0x70, s29;
	s30 =	sadd.s32 s18, s16  }
0x1a: {  	s17 =	sadd.s32 s19, s30  }
0x1b: {  	v2 =	vld [tilespmem:s17+$0x0];
	_ =	sdelay $0x1  }
0x1c: {  	s31 =	sshll.u32 s15, $0x9  }
0x1d: {  	s20 =	simm.s32 $0x0;
	s22 =	simm.s32 $0x80;
	s17 =	sand.u32 $0x3FFFFE00, s31  }
0x1e: {  	s21 =	simm.s32 $0x2;
	s23 =	sand.u32 $0x3FFFFF00, s20;
	s17 =	sadd.s32 $0x2000, s17  }
0x1f: {  	s20 =	simm.s32 $0x10;
	s18 =	simm.s32 $0x1;
	s23 =	sadd.s32 s23, s17;
	vm0 =	vle.f32 v2, v1  }
.LBB2_3:
0x20: {  	p0 =	sne.s32 s21, $0xF;
	s22 =	sand.u32 $0x3FFFFC00, s22;
	vm1 =	vmneg vm0;
	v2 =	vsel vm0, $0x1, v0;
	s23 =	sadd.s32 s19, s23  }
0x21: {  	s19 =	sand.u32 $0x70, s20;
	s22 =	sadd.s32 s22, s16;
	[tilespmem:s23+$0x0] =	vst v2;
	v2 =	vsel vm1, $0x1, v0  }
0x22: {  	s22 =	sadd.s32 s19, s22;
	[tilespmem:s23+$0x80] =	vst v2  }
0x23: {  	v2 =	vld [tilespmem:s22+$0x0]  }
.Ltmp0:
0x24: {  	(pc) =	sbr.rel @p0 .LBB2_3-.Ltmp0, $4  }
0x25: {  	_ = 	snop  }
0x26: {  	s22 =	sshll.u32 s18, $0x5;
	s18 =	smov.u32 s21  }
0x27: {  	s20 =	sadd.s32 $0x10, s20;
	s23 =	sand.u32 $0x3FFFFF00, s22  }
0x28: {  	s21 =	sadd.s32 $0x1, s21;
	s22 =	sshll.u32 s18, $0x7;
	s23 =	sadd.s32 s23, s17;
	vm0 =	vle.f32 v2, v1  }
0x29: {  	s21 =	sand.u32 $0x3FFFFC00, s22;
	vm1 =	vmneg vm0;
	v2 =	vsel vm0, $0x1, v0;
	s19 =	sadd.s32 s19, s23  }
0x2a: {  	s20 =	sand.u32 $0x70, s20;
	s16 =	sadd.s32 s21, s16;
	[tilespmem:s19+$0x0] =	vst v2;
	v2 =	vsel vm1, $0x1, v0  }
0x2b: {  	s16 =	sadd.s32 s20, s16;
	[tilespmem:s19+$0x80] =	vst v2  }
0x2c: {  	v2 =	vld [tilespmem:s16+$0x0];
	_ =	sdelay $0x1  }
0x2d: {  	s15 =	sadd.s32 $0x1, s15  }
0x2e: {  	s31 =	sshll.u32 s18, $0x5;
	p0 =	sne.s32 s15, $0x10  }
.Ltmp1:
0x2f: {  	s16 =	sand.u32 $0x3FFFFF00, s31;
	(pc) =	sbr.rel @p0 .LBB2_2-.Ltmp1, $4  }
0x30: {  	s16 =	sadd.s32 s16, s17;
	vm14 =	vle.f32 v2, v1  }
0x31: {  	s16 =	sadd.s32 s20, s16;
	vm15 =	vmneg vm14;
	v2 =	vsel vm14, $0x1, v0  }
0x32: {  	[tilespmem:s16+$0x0] =	vst v2;
	v2 =	vsel vm15, $0x1, v0  }
0x33: {  	[tilespmem:s16+$0x80] =	vst v2  }
0x34: {  	s15 =	simm.s32 $0x0;
	s16 =	simm.s32 $0x0  }
0x35: {  	[hbm4b:s5+s15] =	stream.linear.scatter [tilespmem:s11], [sflag:$0x2], $0x2000, $0x38;
	[tilespmem:$0x6080] =	vst v63  }
.LBB2_6:
0x36: {  	s17 =	sor.u32 $0x10, s16  }
0x37: {  	s19 =	sshll.u32 s16, $0x7;
	s18 =	sshll.u32 s17, $0x8  }
0x38: {  	s20 =	simm.s32 $0x0;
	s19 =	sand.u32 $0x380, s19;
	s18 =	sand.u32 $0x1800, s18  }
0x39: {  	s31 =	sand.u32 $0x3FFFFC00, s20;
	s18 =	sor.u32 s19, s18  }
0x3a: {  	s20 =	sand.u32 $0x70, s15;
	s19 =	sadd.s32 s31, s18  }
0x3b: {  	s19 =	sadd.s32 s20, s19  }
0x3c: {  	v2 =	vld [tilespmem:s19+$0x0];
	_ =	sdelay $0x1  }
0x3d: {  	s17 =	sshll.u32 s17, $0x9  }
0x3e: {  	s21 =	simm.s32 $0x0;
	s23 =	simm.s32 $0x80;
	s17 =	sand.u32 $0x3FFFFE00, s17  }
0x3f: {  	s22 =	simm.s32 $0x2;
	s24 =	sand.u32 $0x3FFFFF00, s21;
	s17 =	sadd.s32 $0x2000, s17  }
0x40: {  	s21 =	simm.s32 $0x10;
	s24 =	sadd.s32 s24, s17;
	s19 =	simm.s32 $0x1;
	vm0 =	vle.f32 v2, v1  }
.LBB2_7:
0x41: {  	p0 =	sne.s32 s22, $0xF;
	s23 =	sand.u32 $0x3FFFFC00, s23;
	vm1 =	vmneg vm0;
	v2 =	vsel vm0, $0x1, v0;
	s24 =	sadd.s32 s20, s24  }
0x42: {  	s20 =	sand.u32 $0x70, s21;
	s23 =	sadd.s32 s23, s18;
	[tilespmem:s24+$0x0] =	vst v2;
	v2 =	vsel vm1, $0x1, v0  }
0x43: {  	s23 =	sadd.s32 s20, s23;
	[tilespmem:s24+$0x80] =	vst v2  }
0x44: {  	v2 =	vld [tilespmem:s23+$0x0]  }
.Ltmp2:
0x45: {  	(pc) =	sbr.rel @p0 .LBB2_7-.Ltmp2, $4  }
0x46: {  	_ = 	snop  }
0x47: {  	s23 =	sshll.u32 s19, $0x5;
	s19 =	smov.u32 s22  }
0x48: {  	s21 =	sadd.s32 $0x10, s21;
	s24 =	sand.u32 $0x3FFFFF00, s23  }
0x49: {  	s22 =	sadd.s32 $0x1, s22;
	s23 =	sshll.u32 s19, $0x7;
	s24 =	sadd.s32 s24, s17;
	vm0 =	vle.f32 v2, v1  }
0x4a: {  	s22 =	sand.u32 $0x3FFFFC00, s23;
	vm1 =	vmneg vm0;
	v2 =	vsel vm0, $0x1, v0;
	s20 =	sadd.s32 s20, s24  }
0x4b: {  	s21 =	sand.u32 $0x70, s21;
	s18 =	sadd.s32 s22, s18;
	[tilespmem:s20+$0x0] =	vst v2;
	v2 =	vsel vm1, $0x1, v0  }
0x4c: {  	s18 =	sadd.s32 s21, s18;
	[tilespmem:s20+$0x80] =	vst v2  }
0x4d: {  	v2 =	vld [tilespmem:s18+$0x0];
	_ =	sdelay $0x1  }
0x4e: {  	s16 =	sadd.s32 $0x1, s16  }
0x4f: {  	s31 =	sshll.u32 s19, $0x5;
	p0 =	sne.s32 s16, $0x10  }
.Ltmp3:
0x50: {  	s18 =	sand.u32 $0x3FFFFF00, s31;
	(pc) =	sbr.rel @p0 .LBB2_6-.Ltmp3, $4  }
0x51: {  	s17 =	sadd.s32 s18, s17;
	vm14 =	vle.f32 v2, v1  }
0x52: {  	s17 =	sadd.s32 s21, s17;
	vm15 =	vmneg vm14;
	v2 =	vsel vm14, $0x1, v0  }
0x53: {  	[tilespmem:s17+$0x0] =	vst v2;
	v2 =	vsel vm15, $0x1, v0  }
0x54: {  	[tilespmem:s17+$0x80] =	vst v2  }
0x55: {  	[hbm4b:s6+s2] =	stream.linear.scatter [tilespmem:s12], [sflag:$0x2], $0x2000, $0x38;
	[tilespmem:$0x6080] =	vst v63  }
0x56: {  	s14 =	sadd.s32 $0x1, s14  }
0x57: {  	_ =	swait.ge [sflag:s13], $0x2000;
	p0 =	sne.s32 s14, s7  }
.Ltmp4:
0x58: {  	[sflag:s13] =	ssyncset.done $0x0;
	(pc) =	sbr.rel @p0 .LBB2_1-.Ltmp4, $4  }
0x59: {  	[sflag:s13] =	ssyncadd.s32 $0xFFFFE000  }
0x5a: {  	_ =	swait.ge [sflag:s13], $0x2000  }
0x5b: {  	[sflag:s13] =	ssyncset.done $0x0  }
0x5c: {  	[sflag:s13] =	ssyncadd.s32 $0xFFFFE000  }
0x5d: {  	_ =	sfence.sel $0x180000  }
0x5e: {  	[bflag:$0x0] =	sbarrier.arrive $0xFFFF  }
0x5f: {  	p0 =	sne.s32 s1, $0x0;
	_ =	strace $0x90000047  }
0x60: {  	s0 =	sadd.s32 @!p0 $0x100000, s0;
	[bflag:$0x2] =	sbarrier.arrive $0xFFFF  }
0x61: {  	[sflag:s0] =	ssyncadd.tile.s32 @!p0 $0x1;
	_ =	shalt  }
.Lfunc_end2:
_tile_overlayer_lowered:
.L_overlay_start_2:
0x62: {  	(tag) =	ssettag $0x2  }
0x63: {  	s0 =	rddreg [dreg:$0x0];
	s2 =	stileid.u32  }
0x64: {  	s1 =	rddreg [dreg:$0x1];
	p0 =	sne.s32 s2, $0x0  }
0x65: {  	s3 =	rddreg [dreg:$0x2];
	[bflag:$0x3] =	sbarrier.arrive $0xFFFF;
	s2 =	simm.s32 @!p0 $0x1C03  }
0x66: {  	[timem:s3], [sflag:s2] =	dma.local @!p0 [hbm:s0], s1  }
0x67: {  	s0 =	simm.s32 @!p0 $0x3  }
0x68: {  	_ =	swait.ge @!p0 [sflag:s0], s1  }
0x69: {  	s1 =	ssub.s32 @!p0 $0x0, s1;
	[sflag:s0] =	ssyncset.done @!p0 $0x0  }
0x6a: {  	[sflag:s0] =	ssyncadd.s32 @!p0 s1  }
0x6b: {  	[bflag:$0x3] =	sbarrier.arrive $0xFFFF  }
0x6c: {  	_ =	shalt  }

</sc_bundles>
